<compile_context>
chip_gen: v7x
topology: tpu7x:2x2x1
jax: 0.10.2.dev20260603
libtpu: 0.0.44.dev20260713+nightly
codegen_flags: <defaults>
</compile_context>

<pallas_src>
import functools

import jax
import jax.numpy as jnp
from jax import lax
from jax.experimental import pallas as pl
from jax.experimental.pallas import tpu as pltpu
from jax.experimental.pallas import tpu_sc as plsc

VOCAB = 1000000
D = 64
DF = 128
B_TOK = 4096 * 200
NC, NS, L = 2, 16, 16
NW = NC * NS
PER_W = B_TOK // NW
CHUNK = 80
NCHUNK = PER_W // CHUNK
NBUF = 4
NGROUP = NCHUNK // NBUF


def _embed_kernel(fat_hbm, idx_hbm, out_hbm, idx_v, *bufs):
    rows = bufs[:NBUF]
    comp = bufs[NBUF:2 * NBUF]
    gsem = bufs[2 * NBUF:3 * NBUF]
    osem = bufs[3 * NBUF:4 * NBUF]

    wid = lax.axis_index("s") * NC + lax.axis_index("c")
    base = wid * PER_W

    pltpu.sync_copy(idx_hbm.at[pl.ds(base, PER_W)], idx_v)

    def gather_start(b, j):
        src = fat_hbm.at[idx_v.at[pl.ds(j * CHUNK, CHUNK)]]
        pltpu.make_async_copy(src, rows[b], gsem[b]).start()

    for b in range(NBUF):
        gather_start(b, b)

    def group(g, _):
        for b in range(NBUF):
            j = g * NBUF + b
            src = fat_hbm.at[idx_v.at[pl.ds(j * CHUNK, CHUNK)]]
            pltpu.make_async_copy(src, rows[b], gsem[b]).wait()

            @plsc.parallel_loop(0, CHUNK, step=4)
            def scale_row(i):
                for rr in range(4):
                    for k in range(D // L):
                        sl = pl.ds(k * L, L)
                        comp[b][i + rr, sl] = rows[b][i + rr, sl] * 8.0

            dst = out_hbm.at[pl.ds(base + j * CHUNK, CHUNK)]
            pltpu.make_async_copy(comp[b], dst, osem[b]).start()

        for b in range(NBUF):
            j = g * NBUF + b
            dst = out_hbm.at[pl.ds(base + j * CHUNK, CHUNK)]
            pltpu.make_async_copy(comp[b], dst, osem[b]).wait()

            @pl.when(g + 1 < NGROUP)
            def _():
                gather_start(b, (g + 1) * NBUF + b)

        return 0

    lax.fori_loop(0, NGROUP, group, 0)


@jax.jit
def _embed(fat, idx):
    mesh = plsc.VectorSubcoreMesh(core_axis_name="c", subcore_axis_name="s")
    f = functools.partial(
        pl.kernel,
        out_type=jax.ShapeDtypeStruct((B_TOK, D), jnp.float32),
        mesh=mesh,
        scratch_types=(
            [pltpu.VMEM((PER_W,), jnp.int32)]
            + [pltpu.VMEM((CHUNK, DF), jnp.float32) for _ in range(NBUF)]
            + [pltpu.VMEM((CHUNK, D), jnp.float32) for _ in range(NBUF)]
            + [pltpu.SemaphoreType.DMA for _ in range(2 * NBUF)]
        ),
        compiler_params=pltpu.CompilerParams(use_tc_tiling_on_sc=True),
    )(_embed_kernel)
    return f(fat, idx)


def kernel(x, table):
    fat = jnp.pad(table, ((0, 0), (0, DF - D)))
    idx = x.reshape(B_TOK).astype(jnp.int32)
    out = _embed(fat, idx)
    return out.reshape(x.shape[0], x.shape[1], D)

# --- scband reference (transcript-rebuilt; emitter-appended) ---
"""Pipeline reference for scband-embeddings-24378234372377 (READ-ONLY COPY).

The authoritative reference and input builder live on the scoring server;
editing this copy changes nothing except your own understanding.
"""

import jax, jax.numpy as jnp
import numpy as np
import math

VOCAB = 1000000
D_MODEL = 64
B = 4096
L = 200

def setup_inputs(seed: int = 0) -> dict:
    key = jax.random.key(seed)
    k1, k2 = jax.random.split(key)
    x = jax.random.randint(k1, (B, L), 0, VOCAB, dtype=jnp.int64)
    table = jax.random.normal(k2, (VOCAB, D_MODEL), dtype=jnp.float32)
    return {"x": x, "table": table}

def reference(x, table):
    # Embeddings.forward: emb(x) * sqrt(d_model)
    out = jnp.take(table, x, axis=0) * math.sqrt(D_MODEL)
    return out

if __name__ == "__main__":
    import jax
    _d = setup_inputs()
    print(jax.jit(kernel)(*tuple(_d.values())))

</pallas_src>

<mosaic_0001>
#map = affine_map<(d0, d1) -> (0, 0)>
#map1 = affine_map<(d0, d1) -> (0)>
module attributes {stable_mosaic.version = 14 : i64} {
  func.func @_embed_kernel(%arg0: i32, %arg1: i32, %arg2: memref<1000000x128xf32, #tpu.memory_space<hbm>>, %arg3: memref<819200xi32, #tpu.memory_space<hbm>>, %arg4: memref<819200x64xf32, #tpu.memory_space<hbm>>, %arg5: memref<25600xi32, #tpu.memory_space<vmem>>, %arg6: memref<80x128xf32, #tpu.memory_space<vmem>>, %arg7: memref<80x128xf32, #tpu.memory_space<vmem>>, %arg8: memref<80x128xf32, #tpu.memory_space<vmem>>, %arg9: memref<80x128xf32, #tpu.memory_space<vmem>>, %arg10: memref<80x64xf32, #tpu.memory_space<vmem>>, %arg11: memref<80x64xf32, #tpu.memory_space<vmem>>, %arg12: memref<80x64xf32, #tpu.memory_space<vmem>>, %arg13: memref<80x64xf32, #tpu.memory_space<vmem>>, %arg14: memref<!tpu.dma_semaphore, #tpu.memory_space<semaphore_mem>>, %arg15: memref<!tpu.dma_semaphore, #tpu.memory_space<semaphore_mem>>, %arg16: memref<!tpu.dma_semaphore, #tpu.memory_space<semaphore_mem>>, %arg17: memref<!tpu.dma_semaphore, #tpu.memory_space<semaphore_mem>>, %arg18: memref<!tpu.dma_semaphore, #tpu.memory_space<semaphore_mem>>, %arg19: memref<!tpu.dma_semaphore, #tpu.memory_space<semaphore_mem>>, %arg20: memref<!tpu.dma_semaphore, #tpu.memory_space<semaphore_mem>>, %arg21: memref<!tpu.dma_semaphore, #tpu.memory_space<semaphore_mem>>) attributes {dimension_semantics = [#tpu.dimension_semantics<core_parallel>, #tpu.dimension_semantics<subcore_parallel>], iteration_bounds = array<i64: 2, 16>, scalar_prefetch = 0 : i64, scratch_operands = 17 : i64, tpu.core_type = #tpu.core_type<sc_vector_subcore>, window_params = [{transform_indices = #map}, {transform_indices = #map1}, {transform_indices = #map}]} {
    %mul3A = arith.constant 2 : i32
    %mul3A_0 = arith.muli %arg1, %mul3A : i32
    %add3A = arith.addi %mul3A_0, %arg0 : i32
    %mul3A_1 = arith.constant 25600 : i32
    %mul3A_2 = arith.muli %add3A, %mul3A_1 : i32
    "tpu.region"() ({
      %run_scoped3A = tpu.sem_alloc : memref<!tpu.dma_semaphore, #tpu.memory_space<semaphore_mem>>
      %dma_start3A_28 = tpu.memref_slice %arg3[%mul3A_2] : memref<819200xi32, #tpu.memory_space<hbm>> -> memref<25600xi32, #tpu.memory_space<hbm>>
      %dma_start3A_29 = tpu.memref_slice %arg3[%mul3A_2] : memref<819200xi32, #tpu.memory_space<hbm>> -> memref<25600xi32, #tpu.memory_space<hbm>>
      tpu.enqueue_dma source(%dma_start3A_29 : memref<25600xi32, #tpu.memory_space<hbm>>) target(%arg5 : memref<25600xi32, #tpu.memory_space<vmem>>) target_semaphore(%run_scoped3A : memref<!tpu.dma_semaphore, #tpu.memory_space<semaphore_mem>>)
      %dma_wait3A = tpu.memref_slice %arg3[%mul3A_2] : memref<819200xi32, #tpu.memory_space<hbm>> -> memref<25600xi32, #tpu.memory_space<hbm>>
      %dma_wait3A_30 = tpu.memref_slice %arg3[%mul3A_2] : memref<819200xi32, #tpu.memory_space<hbm>> -> memref<25600xi32, #tpu.memory_space<hbm>>
      tpu.wait_dma2 semaphore(%run_scoped3A : memref<!tpu.dma_semaphore, #tpu.memory_space<semaphore_mem>>) src(%dma_wait3A_30 : memref<25600xi32, #tpu.memory_space<hbm>>) dst(%arg5 : memref<25600xi32, #tpu.memory_space<vmem>>)
      tpu.yield
    }) : () -> ()
    %dma_start3A = arith.constant 0 : i32
    %dma_start3A_3 = tpu.memref_slice %arg5[%dma_start3A] : memref<25600xi32, #tpu.memory_space<vmem>> -> memref<80xi32, #tpu.memory_space<vmem>>
    %dma_start3A_4 = arith.constant 0 : i32
    %dma_start3A_5 = arith.constant 0 : i32
    %dma_start3A_6 = tpu.memref_slice %arg2[%dma_start3A_4, %dma_start3A_5] : memref<1000000x128xf32, #tpu.memory_space<hbm>> -> memref<1000000x128xf32, #tpu.memory_space<hbm>>
    tpu.enqueue_indirect_dma source(%dma_start3A_6 : memref<1000000x128xf32, #tpu.memory_space<hbm>>) target(%arg6 : memref<80x128xf32, #tpu.memory_space<vmem>>) offsets(%dma_start3A_3 : memref<80xi32, #tpu.memory_space<vmem>>) semaphore(%arg14 : memref<!tpu.dma_semaphore, #tpu.memory_space<semaphore_mem>>)
    %dma_start3A_7 = arith.constant 80 : i32
    %dma_start3A_8 = tpu.memref_slice %arg5[%dma_start3A_7] : memref<25600xi32, #tpu.memory_space<vmem>> -> memref<80xi32, #tpu.memory_space<vmem>>
    %dma_start3A_9 = arith.constant 0 : i32
    %dma_start3A_10 = arith.constant 0 : i32
    %dma_start3A_11 = tpu.memref_slice %arg2[%dma_start3A_9, %dma_start3A_10] : memref<1000000x128xf32, #tpu.memory_space<hbm>> -> memref<1000000x128xf32, #tpu.memory_space<hbm>>
    tpu.enqueue_indirect_dma source(%dma_start3A_11 : memref<1000000x128xf32, #tpu.memory_space<hbm>>) target(%arg7 : memref<80x128xf32, #tpu.memory_space<vmem>>) offsets(%dma_start3A_8 : memref<80xi32, #tpu.memory_space<vmem>>) semaphore(%arg15 : memref<!tpu.dma_semaphore, #tpu.memory_space<semaphore_mem>>)
    %dma_start3A_12 = arith.constant 160 : i32
    %dma_start3A_13 = tpu.memref_slice %arg5[%dma_start3A_12] : memref<25600xi32, #tpu.memory_space<vmem>> -> memref<80xi32, #tpu.memory_space<vmem>>
    %dma_start3A_14 = arith.constant 0 : i32
    %dma_start3A_15 = arith.constant 0 : i32
    %dma_start3A_16 = tpu.memref_slice %arg2[%dma_start3A_14, %dma_start3A_15] : memref<1000000x128xf32, #tpu.memory_space<hbm>> -> memref<1000000x128xf32, #tpu.memory_space<hbm>>
    tpu.enqueue_indirect_dma source(%dma_start3A_16 : memref<1000000x128xf32, #tpu.memory_space<hbm>>) target(%arg8 : memref<80x128xf32, #tpu.memory_space<vmem>>) offsets(%dma_start3A_13 : memref<80xi32, #tpu.memory_space<vmem>>) semaphore(%arg16 : memref<!tpu.dma_semaphore, #tpu.memory_space<semaphore_mem>>)
    %dma_start3A_17 = arith.constant 240 : i32
    %dma_start3A_18 = tpu.memref_slice %arg5[%dma_start3A_17] : memref<25600xi32, #tpu.memory_space<vmem>> -> memref<80xi32, #tpu.memory_space<vmem>>
    %dma_start3A_19 = arith.constant 0 : i32
    %dma_start3A_20 = arith.constant 0 : i32
    %dma_start3A_21 = tpu.memref_slice %arg2[%dma_start3A_19, %dma_start3A_20] : memref<1000000x128xf32, #tpu.memory_space<hbm>> -> memref<1000000x128xf32, #tpu.memory_space<hbm>>
    tpu.enqueue_indirect_dma source(%dma_start3A_21 : memref<1000000x128xf32, #tpu.memory_space<hbm>>) target(%arg9 : memref<80x128xf32, #tpu.memory_space<vmem>>) offsets(%dma_start3A_18 : memref<80xi32, #tpu.memory_space<vmem>>) semaphore(%arg17 : memref<!tpu.dma_semaphore, #tpu.memory_space<semaphore_mem>>)
    %scan3A = arith.constant 0 : i32
    %scan3A_22 = arith.constant 0 : i32
    %scan3A_23 = arith.constant 80 : i32
    %scan3A_24 = arith.addi %scan3A_22, %scan3A_23 : i32
    %scan3A_25 = arith.constant 1 : i32
    %scan3A_26 = scf.for %scan3A_28 = %scan3A_22 to %scan3A_24 step %scan3A_25 iter_args(%scan3A_29 = %scan3A) -> (i32)  : i32 {
      %mul3A_30 = arith.constant 4 : i32
      %mul3A_31 = arith.muli %scan3A_28, %mul3A_30 : i32
      %add3A_32 = arith.constant 0 : i32
      %add3A_33 = arith.addi %mul3A_31, %add3A_32 : i32
      %mul3A_34 = arith.constant 80 : i32
      %mul3A_35 = arith.muli %add3A_33, %mul3A_34 : i32
      %dma_wait3A = tpu.memref_slice %arg5[%mul3A_35] : memref<25600xi32, #tpu.memory_space<vmem>> -> memref<80xi32, #tpu.memory_space<vmem>>
      %dma_wait3A_36 = arith.constant 0 : i32
      %dma_wait3A_37 = arith.constant 0 : i32
      %dma_wait3A_38 = tpu.memref_slice %arg2[%dma_wait3A_36, %dma_wait3A_37] : memref<1000000x128xf32, #tpu.memory_space<hbm>> -> memref<1000000x128xf32, #tpu.memory_space<hbm>>
      tpu.wait_indirect_dma semaphore(%arg14 : memref<!tpu.dma_semaphore, #tpu.memory_space<semaphore_mem>>) src(%dma_wait3A_38 : memref<1000000x128xf32, #tpu.memory_space<hbm>>) dst(%arg6 : memref<80x128xf32, #tpu.memory_space<vmem>>)
      %parallel_loop3A = arith.constant 0 : i32
      %parallel_loop3A_39 = arith.constant 80 : i32
      %parallel_loop3A_40 = arith.constant 4 : i32
      scf.for %parallel_loop3A_178 = %parallel_loop3A to %parallel_loop3A_39 step %parallel_loop3A_40  : i32 {
      } {sc.loop_unroll_factor = 1 : i64, sc.parallel_access}
      %mul3A_41 = arith.constant 80 : i32
      %mul3A_42 = arith.muli %add3A_33, %mul3A_41 : i32
      %add3A_43 = arith.addi %mul3A_2, %mul3A_42 : i32
      %dma_start3A_44 = arith.constant 0 : i32
      %dma_start3A_45 = tpu.memref_slice %arg4[%add3A_43, %dma_start3A_44] : memref<819200x64xf32, #tpu.memory_space<hbm>> -> memref<80x64xf32, #tpu.memory_space<hbm>>
      %dma_start3A_46 = arith.constant 0 : i32
      %dma_start3A_47 = tpu.memref_slice %arg4[%add3A_43, %dma_start3A_46] : memref<819200x64xf32, #tpu.memory_space<hbm>> -> memref<80x64xf32, #tpu.memory_space<hbm>>
      tpu.enqueue_dma source(%arg10 : memref<80x64xf32, #tpu.memory_space<vmem>>) target(%dma_start3A_47 : memref<80x64xf32, #tpu.memory_space<hbm>>) target_semaphore(%arg18 : memref<!tpu.dma_semaphore, #tpu.memory_space<semaphore_mem>>)
      %mul3A_48 = arith.constant 4 : i32
      %mul3A_49 = arith.muli %scan3A_28, %mul3A_48 : i32
      %add3A_50 = arith.constant 1 : i32
      %add3A_51 = arith.addi %mul3A_49, %add3A_50 : i32
      %mul3A_52 = arith.constant 80 : i32
      %mul3A_53 = arith.muli %add3A_51, %mul3A_52 : i32
      %dma_wait3A_54 = tpu.memref_slice %arg5[%mul3A_53] : memref<25600xi32, #tpu.memory_space<vmem>> -> memref<80xi32, #tpu.memory_space<vmem>>
      %dma_wait3A_55 = arith.constant 0 : i32
      %dma_wait3A_56 = arith.constant 0 : i32
      %dma_wait3A_57 = tpu.memref_slice %arg2[%dma_wait3A_55, %dma_wait3A_56] : memref<1000000x128xf32, #tpu.memory_space<hbm>> -> memref<1000000x128xf32, #tpu.memory_space<hbm>>
      tpu.wait_indirect_dma semaphore(%arg15 : memref<!tpu.dma_semaphore, #tpu.memory_space<semaphore_mem>>) src(%dma_wait3A_57 : memref<1000000x128xf32, #tpu.memory_space<hbm>>) dst(%arg7 : memref<80x128xf32, #tpu.memory_space<vmem>>)
      %parallel_loop3A_58 = arith.constant 0 : i32
      %parallel_loop3A_59 = arith.constant 80 : i32
      %parallel_loop3A_60 = arith.constant 4 : i32
      scf.for %parallel_loop3A_178 = %parallel_loop3A_58 to %parallel_loop3A_59 step %parallel_loop3A_60  : i32 {
      } {sc.loop_unroll_factor = 1 : i64, sc.parallel_access}
      %mul3A_61 = arith.constant 80 : i32
      %mul3A_62 = arith.muli %add3A_51, %mul3A_61 : i32
      %add3A_63 = arith.addi %mul3A_2, %mul3A_62 : i32
      %dma_start3A_64 = arith.constant 0 : i32
      %dma_start3A_65 = tpu.memref_slice %arg4[%add3A_63, %dma_start3A_64] : memref<819200x64xf32, #tpu.memory_space<hbm>> -> memref<80x64xf32, #tpu.memory_space<hbm>>
      %dma_start3A_66 = arith.constant 0 : i32
      %dma_start3A_67 = tpu.memref_slice %arg4[%add3A_63, %dma_start3A_66] : memref<819200x64xf32, #tpu.memory_space<hbm>> -> memref<80x64xf32, #tpu.memory_space<hbm>>
      tpu.enqueue_dma source(%arg11 : memref<80x64xf32, #tpu.memory_space<vmem>>) target(%dma_start3A_67 : memref<80x64xf32, #tpu.memory_space<hbm>>) target_semaphore(%arg19 : memref<!tpu.dma_semaphore, #tpu.memory_space<semaphore_mem>>)
      %mul3A_68 = arith.constant 4 : i32
      %mul3A_69 = arith.muli %scan3A_28, %mul3A_68 : i32
      %add3A_70 = arith.constant 2 : i32
      %add3A_71 = arith.addi %mul3A_69, %add3A_70 : i32
      %mul3A_72 = arith.constant 80 : i32
      %mul3A_73 = arith.muli %add3A_71, %mul3A_72 : i32
      %dma_wait3A_74 = tpu.memref_slice %arg5[%mul3A_73] : memref<25600xi32, #tpu.memory_space<vmem>> -> memref<80xi32, #tpu.memory_space<vmem>>
      %dma_wait3A_75 = arith.constant 0 : i32
      %dma_wait3A_76 = arith.constant 0 : i32
      %dma_wait3A_77 = tpu.memref_slice %arg2[%dma_wait3A_75, %dma_wait3A_76] : memref<1000000x128xf32, #tpu.memory_space<hbm>> -> memref<1000000x128xf32, #tpu.memory_space<hbm>>
      tpu.wait_indirect_dma semaphore(%arg16 : memref<!tpu.dma_semaphore, #tpu.memory_space<semaphore_mem>>) src(%dma_wait3A_77 : memref<1000000x128xf32, #tpu.memory_space<hbm>>) dst(%arg8 : memref<80x128xf32, #tpu.memory_space<vmem>>)
      %parallel_loop3A_78 = arith.constant 0 : i32
      %parallel_loop3A_79 = arith.constant 80 : i32
      %parallel_loop3A_80 = arith.constant 4 : i32
      scf.for %parallel_loop3A_178 = %parallel_loop3A_78 to %parallel_loop3A_79 step %parallel_loop3A_80  : i32 {
      } {sc.loop_unroll_factor = 1 : i64, sc.parallel_access}
      %mul3A_81 = arith.constant 80 : i32
      %mul3A_82 = arith.muli %add3A_71, %mul3A_81 : i32
      %add3A_83 = arith.addi %mul3A_2, %mul3A_82 : i32
      %dma_start3A_84 = arith.constant 0 : i32
      %dma_start3A_85 = tpu.memref_slice %arg4[%add3A_83, %dma_start3A_84] : memref<819200x64xf32, #tpu.memory_space<hbm>> -> memref<80x64xf32, #tpu.memory_space<hbm>>
      %dma_start3A_86 = arith.constant 0 : i32
      %dma_start3A_87 = tpu.memref_slice %arg4[%add3A_83, %dma_start3A_86] : memref<819200x64xf32, #tpu.memory_space<hbm>> -> memref<80x64xf32, #tpu.memory_space<hbm>>
      tpu.enqueue_dma source(%arg12 : memref<80x64xf32, #tpu.memory_space<vmem>>) target(%dma_start3A_87 : memref<80x64xf32, #tpu.memory_space<hbm>>) target_semaphore(%arg20 : memref<!tpu.dma_semaphore, #tpu.memory_space<semaphore_mem>>)
      %mul3A_88 = arith.constant 4 : i32
      %mul3A_89 = arith.muli %scan3A_28, %mul3A_88 : i32
      %add3A_90 = arith.constant 3 : i32
      %add3A_91 = arith.addi %mul3A_89, %add3A_90 : i32
      %mul3A_92 = arith.constant 80 : i32
      %mul3A_93 = arith.muli %add3A_91, %mul3A_92 : i32
      %dma_wait3A_94 = tpu.memref_slice %arg5[%mul3A_93] : memref<25600xi32, #tpu.memory_space<vmem>> -> memref<80xi32, #tpu.memory_space<vmem>>
      %dma_wait3A_95 = arith.constant 0 : i32
      %dma_wait3A_96 = arith.constant 0 : i32
      %dma_wait3A_97 = tpu.memref_slice %arg2[%dma_wait3A_95, %dma_wait3A_96] : memref<1000000x128xf32, #tpu.memory_space<hbm>> -> memref<1000000x128xf32, #tpu.memory_space<hbm>>
      tpu.wait_indirect_dma semaphore(%arg17 : memref<!tpu.dma_semaphore, #tpu.memory_space<semaphore_mem>>) src(%dma_wait3A_97 : memref<1000000x128xf32, #tpu.memory_space<hbm>>) dst(%arg9 : memref<80x128xf32, #tpu.memory_space<vmem>>)
      %parallel_loop3A_98 = arith.constant 0 : i32
      %parallel_loop3A_99 = arith.constant 80 : i32
      %parallel_loop3A_100 = arith.constant 4 : i32
      scf.for %parallel_loop3A_178 = %parallel_loop3A_98 to %parallel_loop3A_99 step %parallel_loop3A_100  : i32 {
      } {sc.loop_unroll_factor = 1 : i64, sc.parallel_access}
      %mul3A_101 = arith.constant 80 : i32
      %mul3A_102 = arith.muli %add3A_91, %mul3A_101 : i32
      %add3A_103 = arith.addi %mul3A_2, %mul3A_102 : i32
      %dma_start3A_104 = arith.constant 0 : i32
      %dma_start3A_105 = tpu.memref_slice %arg4[%add3A_103, %dma_start3A_104] : memref<819200x64xf32, #tpu.memory_space<hbm>> -> memref<80x64xf32, #tpu.memory_space<hbm>>
      %dma_start3A_106 = arith.constant 0 : i32
      %dma_start3A_107 = tpu.memref_slice %arg4[%add3A_103, %dma_start3A_106] : memref<819200x64xf32, #tpu.memory_space<hbm>> -> memref<80x64xf32, #tpu.memory_space<hbm>>
      tpu.enqueue_dma source(%arg13 : memref<80x64xf32, #tpu.memory_space<vmem>>) target(%dma_start3A_107 : memref<80x64xf32, #tpu.memory_space<hbm>>) target_semaphore(%arg21 : memref<!tpu.dma_semaphore, #tpu.memory_space<semaphore_mem>>)
      %mul3A_108 = arith.constant 4 : i32
      %mul3A_109 = arith.muli %scan3A_28, %mul3A_108 : i32
      %add3A_110 = arith.constant 0 : i32
      %add3A_111 = arith.addi %mul3A_109, %add3A_110 : i32
      %mul3A_112 = arith.constant 80 : i32
      %mul3A_113 = arith.muli %add3A_111, %mul3A_112 : i32
      %add3A_114 = arith.addi %mul3A_2, %mul3A_113 : i32
      %dma_wait3A_115 = arith.constant 0 : i32
      %dma_wait3A_116 = tpu.memref_slice %arg4[%add3A_114, %dma_wait3A_115] : memref<819200x64xf32, #tpu.memory_space<hbm>> -> memref<80x64xf32, #tpu.memory_space<hbm>>
      %dma_wait3A_117 = arith.constant 0 : i32
      %dma_wait3A_118 = tpu.memref_slice %arg4[%add3A_114, %dma_wait3A_117] : memref<819200x64xf32, #tpu.memory_space<hbm>> -> memref<80x64xf32, #tpu.memory_space<hbm>>
      tpu.wait_dma2 semaphore(%arg18 : memref<!tpu.dma_semaphore, #tpu.memory_space<semaphore_mem>>) src(%arg10 : memref<80x64xf32, #tpu.memory_space<vmem>>) dst(%dma_wait3A_118 : memref<80x64xf32, #tpu.memory_space<hbm>>)
      %add3A_119 = arith.constant 1 : i32
      %add3A_120 = arith.addi %scan3A_28, %add3A_119 : i32
      %lt3A = arith.constant 80 : i32
      %lt3A_121 = arith.cmpi slt, %add3A_120, %lt3A : i32
      %convert_element_type3A = arith.extui %lt3A_121 : i1 to i32
      %cond3A = arith.constant 0 : i32
      %cond3A_122 = arith.cmpi ne, %convert_element_type3A, %cond3A : i32
      scf.if %cond3A_122 {
        %add3A_178 = arith.constant 1 : i32
        %add3A_179 = arith.addi %scan3A_28, %add3A_178 : i32
        %mul3A_180 = arith.constant 4 : i32
        %mul3A_181 = arith.muli %add3A_179, %mul3A_180 : i32
        %add3A_182 = arith.constant 0 : i32
        %add3A_183 = arith.addi %mul3A_181, %add3A_182 : i32
        %mul3A_184 = arith.constant 80 : i32
        %mul3A_185 = arith.muli %add3A_183, %mul3A_184 : i32
        %dma_start3A_186 = tpu.memref_slice %arg5[%mul3A_185] : memref<25600xi32, #tpu.memory_space<vmem>> -> memref<80xi32, #tpu.memory_space<vmem>>
        %dma_start3A_187 = arith.constant 0 : i32
        %dma_start3A_188 = arith.constant 0 : i32
        %dma_start3A_189 = tpu.memref_slice %arg2[%dma_start3A_187, %dma_start3A_188] : memref<1000000x128xf32, #tpu.memory_space<hbm>> -> memref<1000000x128xf32, #tpu.memory_space<hbm>>
        tpu.enqueue_indirect_dma source(%dma_start3A_189 : memref<1000000x128xf32, #tpu.memory_space<hbm>>) target(%arg6 : memref<80x128xf32, #tpu.memory_space<vmem>>) offsets(%dma_start3A_186 : memref<80xi32, #tpu.memory_space<vmem>>) semaphore(%arg14 : memref<!tpu.dma_semaphore, #tpu.memory_space<semaphore_mem>>)
      } else {
      }
      %mul3A_123 = arith.constant 4 : i32
      %mul3A_124 = arith.muli %scan3A_28, %mul3A_123 : i32
      %add3A_125 = arith.constant 1 : i32
      %add3A_126 = arith.addi %mul3A_124, %add3A_125 : i32
      %mul3A_127 = arith.constant 80 : i32
      %mul3A_128 = arith.muli %add3A_126, %mul3A_127 : i32
      %add3A_129 = arith.addi %mul3A_2, %mul3A_128 : i32
      %dma_wait3A_130 = arith.constant 0 : i32
      %dma_wait3A_131 = tpu.memref_slice %arg4[%add3A_129, %dma_wait3A_130] : memref<819200x64xf32, #tpu.memory_space<hbm>> -> memref<80x64xf32, #tpu.memory_space<hbm>>
      %dma_wait3A_132 = arith.constant 0 : i32
      %dma_wait3A_133 = tpu.memref_slice %arg4[%add3A_129, %dma_wait3A_132] : memref<819200x64xf32, #tpu.memory_space<hbm>> -> memref<80x64xf32, #tpu.memory_space<hbm>>
      tpu.wait_dma2 semaphore(%arg19 : memref<!tpu.dma_semaphore, #tpu.memory_space<semaphore_mem>>) src(%arg11 : memref<80x64xf32, #tpu.memory_space<vmem>>) dst(%dma_wait3A_133 : memref<80x64xf32, #tpu.memory_space<hbm>>)
      %add3A_134 = arith.constant 1 : i32
      %add3A_135 = arith.addi %scan3A_28, %add3A_134 : i32
      %lt3A_136 = arith.constant 80 : i32
      %lt3A_137 = arith.cmpi slt, %add3A_135, %lt3A_136 : i32
      %convert_element_type3A_138 = arith.extui %lt3A_137 : i1 to i32
      %cond3A_139 = arith.constant 0 : i32
      %cond3A_140 = arith.cmpi ne, %convert_element_type3A_138, %cond3A_139 : i32
      scf.if %cond3A_140 {
        %add3A_178 = arith.constant 1 : i32
        %add3A_179 = arith.addi %scan3A_28, %add3A_178 : i32
        %mul3A_180 = arith.constant 4 : i32
        %mul3A_181 = arith.muli %add3A_179, %mul3A_180 : i32
        %add3A_182 = arith.constant 1 : i32
        %add3A_183 = arith.addi %mul3A_181, %add3A_182 : i32
        %mul3A_184 = arith.constant 80 : i32
        %mul3A_185 = arith.muli %add3A_183, %mul3A_184 : i32
        %dma_start3A_186 = tpu.memref_slice %arg5[%mul3A_185] : memref<25600xi32, #tpu.memory_space<vmem>> -> memref<80xi32, #tpu.memory_space<vmem>>
        %dma_start3A_187 = arith.constant 0 : i32
        %dma_start3A_188 = arith.constant 0 : i32
        %dma_start3A_189 = tpu.memref_slice %arg2[%dma_start3A_187, %dma_start3A_188] : memref<1000000x128xf32, #tpu.memory_space<hbm>> -> memref<1000000x128xf32, #tpu.memory_space<hbm>>
        tpu.enqueue_indirect_dma source(%dma_start3A_189 : memref<1000000x128xf32, #tpu.memory_space<hbm>>) target(%arg7 : memref<80x128xf32, #tpu.memory_space<vmem>>) offsets(%dma_start3A_186 : memref<80xi32, #tpu.memory_space<vmem>>) semaphore(%arg15 : memref<!tpu.dma_semaphore, #tpu.memory_space<semaphore_mem>>)
      } else {
      }
      %mul3A_141 = arith.constant 4 : i32
      %mul3A_142 = arith.muli %scan3A_28, %mul3A_141 : i32
      %add3A_143 = arith.constant 2 : i32
      %add3A_144 = arith.addi %mul3A_142, %add3A_143 : i32
      %mul3A_145 = arith.constant 80 : i32
      %mul3A_146 = arith.muli %add3A_144, %mul3A_145 : i32
      %add3A_147 = arith.addi %mul3A_2, %mul3A_146 : i32
      %dma_wait3A_148 = arith.constant 0 : i32
      %dma_wait3A_149 = tpu.memref_slice %arg4[%add3A_147, %dma_wait3A_148] : memref<819200x64xf32, #tpu.memory_space<hbm>> -> memref<80x64xf32, #tpu.memory_space<hbm>>
      %dma_wait3A_150 = arith.constant 0 : i32
      %dma_wait3A_151 = tpu.memref_slice %arg4[%add3A_147, %dma_wait3A_150] : memref<819200x64xf32, #tpu.memory_space<hbm>> -> memref<80x64xf32, #tpu.memory_space<hbm>>
      tpu.wait_dma2 semaphore(%arg20 : memref<!tpu.dma_semaphore, #tpu.memory_space<semaphore_mem>>) src(%arg12 : memref<80x64xf32, #tpu.memory_space<vmem>>) dst(%dma_wait3A_151 : memref<80x64xf32, #tpu.memory_space<hbm>>)
      %add3A_152 = arith.constant 1 : i32
      %add3A_153 = arith.addi %scan3A_28, %add3A_152 : i32
      %lt3A_154 = arith.constant 80 : i32
      %lt3A_155 = arith.cmpi slt, %add3A_153, %lt3A_154 : i32
      %convert_element_type3A_156 = arith.extui %lt3A_155 : i1 to i32
      %cond3A_157 = arith.constant 0 : i32
      %cond3A_158 = arith.cmpi ne, %convert_element_type3A_156, %cond3A_157 : i32
      scf.if %cond3A_158 {
        %add3A_178 = arith.constant 1 : i32
        %add3A_179 = arith.addi %scan3A_28, %add3A_178 : i32
        %mul3A_180 = arith.constant 4 : i32
        %mul3A_181 = arith.muli %add3A_179, %mul3A_180 : i32
        %add3A_182 = arith.constant 2 : i32
        %add3A_183 = arith.addi %mul3A_181, %add3A_182 : i32
        %mul3A_184 = arith.constant 80 : i32
        %mul3A_185 = arith.muli %add3A_183, %mul3A_184 : i32
        %dma_start3A_186 = tpu.memref_slice %arg5[%mul3A_185] : memref<25600xi32, #tpu.memory_space<vmem>> -> memref<80xi32, #tpu.memory_space<vmem>>
        %dma_start3A_187 = arith.constant 0 : i32
        %dma_start3A_188 = arith.constant 0 : i32
        %dma_start3A_189 = tpu.memref_slice %arg2[%dma_start3A_187, %dma_start3A_188] : memref<1000000x128xf32, #tpu.memory_space<hbm>> -> memref<1000000x128xf32, #tpu.memory_space<hbm>>
        tpu.enqueue_indirect_dma source(%dma_start3A_189 : memref<1000000x128xf32, #tpu.memory_space<hbm>>) target(%arg8 : memref<80x128xf32, #tpu.memory_space<vmem>>) offsets(%dma_start3A_186 : memref<80xi32, #tpu.memory_space<vmem>>) semaphore(%arg16 : memref<!tpu.dma_semaphore, #tpu.memory_space<semaphore_mem>>)
      } else {
      }
      %mul3A_159 = arith.constant 4 : i32
      %mul3A_160 = arith.muli %scan3A_28, %mul3A_159 : i32
      %add3A_161 = arith.constant 3 : i32
      %add3A_162 = arith.addi %mul3A_160, %add3A_161 : i32
      %mul3A_163 = arith.constant 80 : i32
      %mul3A_164 = arith.muli %add3A_162, %mul3A_163 : i32
      %add3A_165 = arith.addi %mul3A_2, %mul3A_164 : i32
      %dma_wait3A_166 = arith.constant 0 : i32
      %dma_wait3A_167 = tpu.memref_slice %arg4[%add3A_165, %dma_wait3A_166] : memref<819200x64xf32, #tpu.memory_space<hbm>> -> memref<80x64xf32, #tpu.memory_space<hbm>>
      %dma_wait3A_168 = arith.constant 0 : i32
      %dma_wait3A_169 = tpu.memref_slice %arg4[%add3A_165, %dma_wait3A_168] : memref<819200x64xf32, #tpu.memory_space<hbm>> -> memref<80x64xf32, #tpu.memory_space<hbm>>
      tpu.wait_dma2 semaphore(%arg21 : memref<!tpu.dma_semaphore, #tpu.memory_space<semaphore_mem>>) src(%arg13 : memref<80x64xf32, #tpu.memory_space<vmem>>) dst(%dma_wait3A_169 : memref<80x64xf32, #tpu.memory_space<hbm>>)
      %add3A_170 = arith.constant 1 : i32
      %add3A_171 = arith.addi %scan3A_28, %add3A_170 : i32
      %lt3A_172 = arith.constant 80 : i32
      %lt3A_173 = arith.cmpi slt, %add3A_171, %lt3A_172 : i32
      %convert_element_type3A_174 = arith.extui %lt3A_173 : i1 to i32
      %cond3A_175 = arith.constant 0 : i32
      %cond3A_176 = arith.cmpi ne, %convert_element_type3A_174, %cond3A_175 : i32
      scf.if %cond3A_176 {
        %add3A_178 = arith.constant 1 : i32
        %add3A_179 = arith.addi %scan3A_28, %add3A_178 : i32
        %mul3A_180 = arith.constant 4 : i32
        %mul3A_181 = arith.muli %add3A_179, %mul3A_180 : i32
        %add3A_182 = arith.constant 3 : i32
        %add3A_183 = arith.addi %mul3A_181, %add3A_182 : i32
        %mul3A_184 = arith.constant 80 : i32
        %mul3A_185 = arith.muli %add3A_183, %mul3A_184 : i32
        %dma_start3A_186 = tpu.memref_slice %arg5[%mul3A_185] : memref<25600xi32, #tpu.memory_space<vmem>> -> memref<80xi32, #tpu.memory_space<vmem>>
        %dma_start3A_187 = arith.constant 0 : i32
        %dma_start3A_188 = arith.constant 0 : i32
        %dma_start3A_189 = tpu.memref_slice %arg2[%dma_start3A_187, %dma_start3A_188] : memref<1000000x128xf32, #tpu.memory_space<hbm>> -> memref<1000000x128xf32, #tpu.memory_space<hbm>>
        tpu.enqueue_indirect_dma source(%dma_start3A_189 : memref<1000000x128xf32, #tpu.memory_space<hbm>>) target(%arg9 : memref<80x128xf32, #tpu.memory_space<vmem>>) offsets(%dma_start3A_186 : memref<80xi32, #tpu.memory_space<vmem>>) semaphore(%arg17 : memref<!tpu.dma_semaphore, #tpu.memory_space<semaphore_mem>>)
      } else {
      }
      %scan3A_177 = arith.constant 0 : i32
      scf.yield %scan3A_177 : i32
    }
    %scan3A_27 = arith.constant 80 : i32
    return
  }
}

</mosaic_0001>

<sc_bundles>
// kernel: _embed.3.cloned.1.call-start
scs
__scs_entry_jumppad:
0x0: {  	(pc) =	sbr.rel $0x88, $3  }
0x1: {  	(tag) =	ssettag $0x0;
	lr =	simm.s32 $0x1  }
0x2: {  	[smem:$0x3F9F] =	sst lr;
	_ =	strace $0xD0000000  }
0x3: {  	_ = 	snop  }
0x4: {  	_ = 	snop  }
0x5: {  	_ = 	snop  }
0x6: {  	_ = 	snop  }
0x7: {  	_ = 	snop  }
__scs_overlays_trampoline_lowered:
0x8: {  	[smem:$0x3FAE] =	sst s0  }
0x9: {  	[smem:$0x3FAF] =	sst s1  }
0xa: {  	[smem:$0x3FB0] =	sst s2  }
0xb: {  	[smem:$0x3FB1] =	sst s3  }
0xc: {  	[smem:$0x3FB2] =	sst s4  }
0xd: {  	[smem:$0x3FB3] =	sst s5  }
0xe: {  	[smem:$0x3FB4] =	sst s6  }
0xf: {  	[smem:$0x3FB5] =	sst s7  }
0x10: {  	[smem:$0x3FB6] =	sst s8  }
0x11: {  	[smem:$0x3FB7] =	sst s9;
	s0 =	simm.s32 @!p0 $0x0  }
0x12: {  	s1 =	sld [smem:$0x3F9D];
	s0 =	simm.s32 @p0 $0x1  }
0x13: {  	[smem:$0x3FB8] =	sst s0;
	s0 =	simm.s32 @!p1 $0x0  }
0x14: {  	s2 =	sld [smem:$0x3F9C];
	s0 =	simm.s32 @p1 $0x1  }
0x15: {  	[smem:$0x3FB9] =	sst s0;
	s0 =	simm.s32 @!p2 $0x0  }
0x16: {  	s3 =	sld [smem:$0x3FDB];
	s0 =	simm.s32 @p2 $0x1  }
0x17: {  	s4 =	simm.s32 $0x1BF5;
	[smem:$0x3FBB] =	sst s0  }
0x18: {  	s0 =	sld [smem:$0x3F9E];
	_ =	swait.ge [sflag:s4], $0x0  }
0x19: {  	s7 =	sld [smem:$0x3F9F]  }
0x1a: {  	s8 =	sadd.s32 $0xFFFFE003, lr  }
0x1b: {  	s9 =	sadd.s32 $0xFFFFFEF7, lr;
	s5 =	simm.s32 $0xFFFFFFFF;
	p2 =	slt.u32 s8, $0xFFFFF086  }
0x1c: {  	p1 =	slt.u32 s9, $0xF7A;
	s5 =	simm.s32 @!p2 $0x0  }
0x1d: {  	s5 =	simm.s32 @p1 $0x1;
	p0 =	seq.s32 s7, s2  }
0x1e: {  	s7 =	smul.u32 @!p0 $0xF7A, s2;
	p2 =	seq.s32 @!p0 s5, $0x0  }
0x1f: {  	s9 =	smul.u32 $0xF7A, s1;
	s8 =	simm.s32 @!p0 $0x1BF5;
	p2 =	por !p2, p0  }
0x20: {  	[sflag:s8] =	ssyncset.s32 @!p0 $0xFFFFF086;
	s6 =	sadd.s32 @!p0 s3, s7;
	s7 =	simm.s32 @!p0 $0x108  }
0x21: {  	s3 =	sadd.s32 s3, s9;
	s6 =	sadd.s32 @!p0 $0x88, s6;
	s7 =	simm.s32 @p2 $0x1082  }
0x22: {  	[simem:s7], [sflag:s8] =	dma.local @!p0 [hbm:s6], $0xF7A  }
0x23: {  	s9 =	sor.u32 $0xD0000000, s2;
	s6 =	simm.s32 $0x108;
	_ =	swait.ge @!p0 [sflag:s8], $0x0  }
0x24: {  	s3 =	sadd.s32 $0x88, s3;
	s6 =	simm.s32 @!p1 $0x1082;
	[sflag:s4] =	ssyncset.s32 $0xFFFFF086  }
0x25: {  	[simem:s6], [sflag:s4] =	dma.local [hbm:s3], $0xF7A  }
0x26: {  	[smem:$0x3F9F] =	sst s1;
	(tag) =	ssettag s2;
	_ =	strace s9  }
0x27: {  	s1 =	sld [smem:$0x3FAF]  }
0x28: {  	s2 =	sld [smem:$0x3FB0]  }
0x29: {  	s4 =	sld [smem:$0x3FB2]  }
0x2a: {  	p0 =	seq.s32 s5, $0x0;
	s5 =	sld [smem:$0x3FB3]  }
0x2b: {  	s6 =	sld [smem:$0x3FB4]  }
0x2c: {  	s7 =	sld [smem:$0x3FB5]  }
0x2d: {  	s3 =	simm.s32 $0x108;
	s8 =	sld [smem:$0x3FB6]  }
0x2e: {  	s3 =	simm.s32 @!p0 $0x1082;
	s9 =	sld [smem:$0x3FB7]  }
0x2f: {  	lr =	sadd.s32 s0, s3;
	s0 =	sld [smem:$0x3FAE]  }
0x30: {  	s3 =	sld [smem:$0x3FB1]  }
0x31: {  	[smem:$0x3FBA] =	sst s10  }
0x32: {  	s10 =	sld [smem:$0x3FB8];
	_ =	sdelay $0x3  }
0x33: {  	p0 =	seq.s32 s10, $0x1;
	s10 =	sld [smem:$0x3FBA];
	_ =	sdelay $0x3  }
0x34: {  	[smem:$0x3FBA] =	sst s10  }
0x35: {  	s10 =	sld [smem:$0x3FB9];
	_ =	sdelay $0x3  }
0x36: {  	p1 =	seq.s32 s10, $0x1;
	s10 =	sld [smem:$0x3FBA];
	_ =	sdelay $0x3  }
0x37: {  	[smem:$0x3FBA] =	sst s10  }
0x38: {  	s10 =	sld [smem:$0x3FBB]  }
0x39: {  	_ = 	snop;
	(pc) =	sbr.ind lr, $3  }
0x3a: {  	_ = 	snop  }
0x3b: {  	_ = 	snop  }
0x3c: {  	p2 =	seq.s32 s10, $0x1;
	s10 =	sld [smem:$0x3FBA]  }
0x3d: {  	_ =	shalt  }
0x3e: {  	_ =	shalt  }
0x3f: {  	_ =	shalt  }
0x40: {  	_ =	shalt  }
0x41: {  	_ =	shalt  }
0x42: {  	_ =	shalt  }
0x43: {  	_ =	shalt  }
0x44: {  	_ =	shalt  }
0x45: {  	_ =	shalt  }
0x46: {  	_ =	shalt  }
0x47: {  	_ =	shalt  }
0x48: {  	_ =	shalt  }
0x49: {  	_ =	shalt  }
0x4a: {  	_ =	shalt  }
0x4b: {  	_ =	shalt  }
0x4c: {  	_ =	shalt  }
0x4d: {  	_ =	shalt  }
0x4e: {  	_ =	shalt  }
0x4f: {  	_ =	shalt  }
0x50: {  	_ =	shalt  }
0x51: {  	_ =	shalt  }
0x52: {  	_ =	shalt  }
0x53: {  	_ =	shalt  }
0x54: {  	_ =	shalt  }
0x55: {  	_ =	shalt  }
0x56: {  	_ =	shalt  }
0x57: {  	_ =	shalt  }
0x58: {  	_ =	shalt  }
0x59: {  	_ =	shalt  }
0x5a: {  	_ =	shalt  }
0x5b: {  	_ =	shalt  }
0x5c: {  	_ =	shalt  }
0x5d: {  	_ =	shalt  }
0x5e: {  	_ =	shalt  }
0x5f: {  	_ =	shalt  }
0x60: {  	_ =	shalt  }
0x61: {  	_ =	shalt  }
0x62: {  	_ =	shalt  }
0x63: {  	_ =	shalt  }
0x64: {  	_ =	shalt  }
0x65: {  	_ =	shalt  }
0x66: {  	_ =	shalt  }
0x67: {  	_ =	shalt  }
0x68: {  	_ =	shalt  }
0x69: {  	_ =	shalt  }
0x6a: {  	_ =	shalt  }
0x6b: {  	_ =	shalt  }
0x6c: {  	_ =	shalt  }
0x6d: {  	_ =	shalt  }
0x6e: {  	_ =	shalt  }
0x6f: {  	_ =	shalt  }
0x70: {  	_ =	shalt  }
0x71: {  	_ =	shalt  }
0x72: {  	_ =	shalt  }
0x73: {  	_ =	shalt  }
0x74: {  	_ =	shalt  }
0x75: {  	_ =	shalt  }
0x76: {  	_ =	shalt  }
0x77: {  	_ =	shalt  }
0x78: {  	_ =	shalt  }
0x79: {  	_ =	shalt  }
0x7a: {  	_ =	shalt  }
0x7b: {  	_ =	shalt  }
0x7c: {  	_ =	shalt  }
0x7d: {  	_ =	shalt  }
0x7e: {  	_ =	shalt  }
0x7f: {  	_ =	shalt  }
0x80: {  	_ =	shalt  }
0x81: {  	_ =	shalt  }
0x82: {  	_ =	shalt  }
0x83: {  	_ =	shalt  }
0x84: {  	_ =	shalt  }
0x85: {  	_ =	shalt  }
0x86: {  	_ =	shalt  }
0x87: {  	_ =	shalt  }
.Lfunc_end0:
.L_simem_size_0:
called_computation_lowered:
.L_overlay_start_0:
0x88: {  	s2 =	sld [smem:$0x3FD9]  }
0x89: {  	s3 =	sld [smem:$0x3FFE];
	_ =	sdelay $0x1  }
0x8a: {  	s1 =	srdreg.scid  }
0x8b: {  	s0 =	sand.u32 $0x1, s1  }
0x8c: {  	s17 =	sshll.u32 s0, $0xA;
	s2 =	sadd.s32 s3, s2  }
0x8d: {  	s2 =	sadd.s32 s2, s17  }
0x8e: {  	[smem:$0x3FC6] =	sst s2  }
0x8f: {  	_ = 	snop  }
0x90: {  	s2 =	sld [smem:$0x3FC9]  }
0x91: {  	s18 =	sld [smem:$0x3FC8];
	(tm) =	ssettm $0x1  }
0x92: {  	s4 =	sld [smem:$0x3FFB];
	_ =	sdelay $0x3  }
0x93: {  	_ =	strace s4  }
0x94: {  	s4 =	sld [smem:$0x3FFC];
	_ =	sdelay $0x3  }
0x95: {  	_ =	strace s4  }
0x96: {  	s4 =	sld [smem:$0x3FFD];
	_ =	sdelay $0x3  }
0x97: {  	_ =	strace s4  }
0x98: {  	_ =	strace $0x8FFFFFFF  }
0x99: {  	s19 =	sld [smem:$0x3FDB];
	_ =	sdelay $0x1  }
0x9a: {  	s5 =	simm.s32 $_scs_section_size  }
0x9b: {  	s6 =	simm.s32 $_size__tile_overlayer_lowered;
	s7 =	simm.s32 $_tile_overlayer_lowered  }
0x9c: {  	s22 =	simm.s32 $0x1BFF;
	s21 =	sshll.u32 s7, $0x1;
	s4 =	sadd.s32 s5, s19  }
0x9d: {  	s8 =	simm.s32 $0x0;
	s20 =	sshll.u32 s6, $0x1;
	s6 =	sadd.s32 s21, s4  }
0x9e: {  	[timem:s8], [sflag:s22] =	dma.local [hbm:s6], s20  }
0x9f: {  	_ =	swait.ge [sflag:s22], s20  }
0xa0: {  	s5 =	ssub.s32 $0x0, s20;
	[sflag:s22] =	ssyncset.done $0x0  }
0xa1: {  	[sflag:s22] =	ssyncadd.s32 s5;
	_ =	sdelay $0x1  }
0xa2: {  	s23 =	simm.s32 $0x1B8B  }
0xa3: {  	_ =	swait.ge [sflag:s23], $0x1  }
0xa4: {  	[sflag:s23] =	ssyncset.done $0x0  }
0xa5: {  	s25 =	simm.s32 $0x1B8E;
	s24 =	sld [smem:$0x3FFE];
	[sflag:s23] =	ssyncadd.s32 $0xFFFFFFFF  }
0xa6: {  	s26 =	simm.s32 $execute0_lowered;
	[smem:$0x3FD2] =	sst s25  }
0xa7: {  	s6 =	sshll.u32 s26, $0x1;
	_ =	strace $0x80000046;
	[dreg:$0x1] =	wrdreg $0xFFFFFFFF  }
0xa8: {  	s28 =	simm.s32 $_size_execute0_lowered;
	s4 =	sadd.s32 s4, s6;
	[dreg:$0x0] =	wrdreg $0x0  }
0xa9: {  	s6 =	sshll.u32 s28, $0x1;
	[dreg:$0x2] =	wrdreg s4  }
0xaa: {  	[dreg:$0x3] =	wrdreg s6  }
0xab: {  	[dreg:$0x4] =	wrdreg $0xC0  }
0xac: {  	_ =	task [dreg:s8], $0x5FFFF  }
0xad: {  	[dreg:$0x1] =	wrdreg $0xFFFFFFFF  }
0xae: {  	[dreg:$0x0] =	wrdreg $0x60  }
0xaf: {  	[dreg:$0x2] =	wrdreg s2  }
0xb0: {  	[dreg:$0x3] =	wrdreg s18  }
0xb1: {  	[dreg:$0x4] =	wrdreg s24  }
0xb2: {  	[dreg:$0x5] =	wrdreg $0x9  }
0xb3: {  	_ =	task.clear_ibuf [dreg:s8], $0x6FFFF;
	_ =	strace $0x90000046  }
0xb4: {  	s29 =	simm.s32 $0x9;
	_ =	strace $0x80000048  }
0xb5: {  	_ =	swait.ge [sflag:s29], $0x1  }
0xb6: {  	[sflag:s29] =	ssyncadd.s32 $0xFFFFFFFF  }
0xb7: {  	_ =	strace $0x90000048  }
0xb8: {  	_ =	sfence  }
0xb9: {  	s30 =	sld [smem:$0x0];
	_ =	sdelay $0x2  }
0xba: {  	s31 =	sshll.u32 s1, $0xD;
	s1 =	sshrl.u32 s1, $0x2  }
0xbb: {  	s3 =	sand.u32 $0x4000, s31;
	s1 =	sadd.s32 s1, s30  }
0xbc: {  	s0 =	sor.u32 s3, s0;
	s1 =	sshll.u32 s1, $0x11  }
0xbd: {  	s0 =	sor.u32 s1, s0  }
0xbe: {  	s0 =	sadd.s32 $0x8F2B, s0  }
0xbf: {  	[sflag:s0] =	ssyncadd.remote.s32 $0x1  }
0xc0: {  	_ =	sfence.sel $0xFFFF  }
0xc1: {  	[dreg:$0x0] =	wrdreg $0xFFFFFFFF;
	(pc) =	sbr.abs _section_cstart, $3  }
0xc2: {  	[dreg:$0x1] =	wrdreg $0xFFFFFFFF  }
0xc3: {  	_ =	task.clear_ibuf [dreg:s8], $0x2FFFF;
	_ =	strace $0x9FFFFFFF  }
0xc4: {  	(tm) =	ssettm $0x7FFFFFFF  }
0xc5: {  	_ =	shalt  }
tec
execute0_lowered:
.L_overlay_start_1:
0x0: {  	(tag) =	ssettag $0x1  }
0x1: {  	s1 =	rddreg [dreg:$0x0]  }
0x2: {  	s0 =	rddreg [dreg:$0x1]  }
0x3: {  	s2 =	rddreg [dreg:$0x2]  }
0x4: {  	s4 =	srdreg.scid;
	s9 =	stileid.u32  }
0x5: {  	s3 =	simm.s32 $0x0;
	s11 =	simm.s32 $0x9;
	s12 =	simm.s32 $0x50  }
0x6: {  	s13 =	simm.s32 $0x6400;
	s14 =	simm.s32 $0x8C00;
	s16 =	simm.s32 $0xB400  }
0x7: {  	s18 =	simm.s32 $0xDC00;
	s19 =	simm.s32 $0x1;
	s20 =	simm.s32 $0x10400  }
0x8: {  	s21 =	simm.s32 $0x2;
	s22 =	simm.s32 $0x12C00;
	s23 =	simm.s32 $0x3  }
0x9: {  	s28 =	simm.s32 $0x5;
	s29 =	simm.s32 $0x6;
	s30 =	simm.s32 $0x7  }
0xa: {  	s31 =	simm.s32 $0x8;
	s5 =	sand.u32 $0x1, s4;
	s24 =	sshll.u32 s9, $0x1  }
0xb: {  	[smem:$0x7FF] =	sst s3;
	s2 =	sadd.s32 $0x400, s2;
	s9 =	smul.u32 $0xC8000, s9  }
0xc: {  	s4 =	sor.u32 s5, s24;
	s7 =	ssub.s32 $0x2, s5;
	s26 =	smul.u32 $0x64000, s5  }
0xd: {  	_ =	strace $0x80000047;
	s6 =	smul.u32 $0x6400, s4;
	s25 =	sshrl.u32 s7, $0x1  }
0xe: {  	s24 =	simm.s32 $0x15400;
	s8 =	smul.u32 $0x64000, s4;
	s7 =	ssub.s32 s7, s25  }
0xf: {  	s25 =	simm.s32 $0x4;
	s6 =	sshrl.u32 s6, $0x3;
	s5 =	smax.u32 s7, $0x1  }
0x10: {  	s10 =	sadd.s32 s2, s8;
	s2 =	sadd.s32 s9, s2;
	s0 =	sadd.s32 s0, s6  }
0x11: {  	s6 =	sadd.s32 $0x62C00, s10;
	s7 =	sadd.s32 $0x63100, s10;
	s8 =	sadd.s32 $0x63600, s10  }
0x12: {  	s9 =	sadd.s32 $0x63B00, s10;
	[dreg:$0x4] =	wrdreg s0;
	s0 =	sadd.s32 s26, s2  }
0x13: {  	s26 =	simm.s32 $0x17C00;
	s10 =	sadd.s32 $0xF00, s0;
	s0 =	simm.s32 $0x0  }
.LBB2_1:
0x14: {  	s2 =	rddreg [dreg:$0x4]  }
0x15: {  	[tilespmem:s3], [sflag:$0x9] =	stream.linear.gather [hbm4b:s2+s3], $0x6400, $0x38;
	[tilespmem:$0x1A400] =	vst v63  }
0x16: {  	_ =	swait.ge [sflag:s11], $0x6400  }
0x17: {  	[sflag:s11] =	ssyncset.done $0x0  }
0x18: {  	[sflag:s11] =	ssyncadd.s32 $0xFFFF9C00  }
0x19: {  	[tilespmem:s13], [sflag:$0x1] =	stream.indirect.gather [hbm4b:s1+s12], $0x80, s3, s12, $0xb8;
	[tilespmem:$0x1A400] =	vst v63  }
0x1a: {  	_ = 	snop  }
0x1b: {  	[tilespmem:s14], [sflag:$0x2] =	stream.indirect.gather [hbm4b:s1+s12], $0x80, s12, s12, $0xb8;
	[tilespmem:$0x1A400] =	vst v63  }
0x1c: {  	s15 =	simm.s32 $0xA0  }
0x1d: {  	[tilespmem:s16], [sflag:$0x3] =	stream.indirect.gather [hbm4b:s1+s12], $0x80, s15, s12, $0xb8;
	[tilespmem:$0x1A400] =	vst v63  }
0x1e: {  	s17 =	simm.s32 $0xF0  }
0x1f: {  	[tilespmem:s18], [sflag:$0x4] =	stream.indirect.gather [hbm4b:s1+s12], $0x80, s17, s12, $0xb8;
	[tilespmem:$0x1A400] =	vst v63  }
0x20: {  	_ =	swait.ge [sflag:s19], $0x2800  }
0x21: {  	[sflag:s19] =	ssyncset.done $0x0  }
0x22: {  	s4 =	sadd.s32 $0xFFFFF100, s10;
	[sflag:s19] =	ssyncadd.s32 $0xFFFFD800  }
0x23: {  	[hbm4b:s4+s3] =	stream.linear.scatter [tilespmem:s20], [sflag:$0x5], $0x2800, $0x38;
	[tilespmem:$0x1A400] =	vst v63  }
0x24: {  	_ =	swait.ge [sflag:s21], $0x2800  }
0x25: {  	[sflag:s21] =	ssyncset.done $0x0  }
0x26: {  	s15 =	sadd.s32 $0xFFFFF600, s10;
	[sflag:s21] =	ssyncadd.s32 $0xFFFFD800  }
0x27: {  	[hbm4b:s15+s3] =	stream.linear.scatter [tilespmem:s22], [sflag:$0x6], $0x2800, $0x38;
	[tilespmem:$0x1A400] =	vst v63  }
0x28: {  	_ =	swait.ge [sflag:s23], $0x2800  }
0x29: {  	[sflag:s23] =	ssyncset.done $0x0  }
0x2a: {  	s17 =	sadd.s32 $0xFFFFFB00, s10;
	[sflag:s23] =	ssyncadd.s32 $0xFFFFD800  }
0x2b: {  	[hbm4b:s17+s3] =	stream.linear.scatter [tilespmem:s24], [sflag:$0x7], $0x2800, $0x38;
	[tilespmem:$0x1A400] =	vst v63  }
0x2c: {  	_ =	swait.ge [sflag:s25], $0x2800  }
0x2d: {  	[sflag:s25] =	ssyncset.done $0x0  }
0x2e: {  	[sflag:s25] =	ssyncadd.s32 $0xFFFFD800  }
0x2f: {  	[hbm4b:s10+s3] =	stream.linear.scatter [tilespmem:s26], [sflag:$0x8], $0x2800, $0x38;
	[tilespmem:$0x1A400] =	vst v63  }
0x30: {  	_ =	swait.ge [sflag:s28], $0x2800  }
0x31: {  	[sflag:s28] =	ssyncset.done $0x0  }
0x32: {  	s4 =	simm.s32 $0x140;
	[sflag:s28] =	ssyncadd.s32 $0xFFFFD800  }
0x33: {  	[tilespmem:s13], [sflag:$0x1] =	stream.indirect.gather [hbm4b:s1+s12], $0x80, s4, s12, $0xb8;
	[tilespmem:$0x1A400] =	vst v63  }
0x34: {  	_ =	swait.ge [sflag:s29], $0x2800  }
0x35: {  	[sflag:s29] =	ssyncset.done $0x0  }
0x36: {  	s15 =	simm.s32 $0x190;
	[sflag:s29] =	ssyncadd.s32 $0xFFFFD800  }
0x37: {  	[tilespmem:s14], [sflag:$0x2] =	stream.indirect.gather [hbm4b:s1+s12], $0x80, s15, s12, $0xb8;
	[tilespmem:$0x1A400] =	vst v63  }
0x38: {  	_ =	swait.ge [sflag:s30], $0x2800  }
0x39: {  	[sflag:s30] =	ssyncset.done $0x0  }
0x3a: {  	s17 =	simm.s32 $0x1E0;
	[sflag:s30] =	ssyncadd.s32 $0xFFFFD800  }
0x3b: {  	[tilespmem:s16], [sflag:$0x3] =	stream.indirect.gather [hbm4b:s1+s12], $0x80, s17, s12, $0xb8;
	[tilespmem:$0x1A400] =	vst v63  }
0x3c: {  	_ =	swait.ge [sflag:s31], $0x2800  }
0x3d: {  	s2 =	simm.s32 $0x500;
	[sflag:s31] =	ssyncset.done $0x0  }
0x3e: {  	s15 =	sadd.s32 $0x1400, s10;
	s17 =	simm.s32 $0x230;
	[sflag:s31] =	ssyncadd.s32 $0xFFFFD800  }
.LBB2_2:
0x3f: {  	[tilespmem:s18], [sflag:$0x4] =	stream.indirect.gather [hbm4b:s1+s12], $0x80, s17, s12, $0xb8;
	[tilespmem:$0x1A400] =	vst v63  }
0x40: {  	s17 =	smov.u32 s2  }
0x41: {  	p0 =	sne.s32 s2, $0x18600;
	s2 =	sadd.s32 $0x500, s2;
	_ =	swait.ge [sflag:s19], $0x2800  }
0x42: {  	[sflag:s19] =	ssyncset.done $0x0  }
0x43: {  	s4 =	sadd.s32 $0xFFFFF100, s15;
	[sflag:s19] =	ssyncadd.s32 $0xFFFFD800  }
0x44: {  	[hbm4b:s4+s3] =	stream.linear.scatter [tilespmem:s20], [sflag:$0x5], $0x2800, $0x38;
	[tilespmem:$0x1A400] =	vst v63  }
0x45: {  	_ =	swait.ge [sflag:s21], $0x2800  }
0x46: {  	[sflag:s21] =	ssyncset.done $0x0  }
0x47: {  	s4 =	sadd.s32 $0xFFFFF600, s15;
	[sflag:s21] =	ssyncadd.s32 $0xFFFFD800  }
0x48: {  	[hbm4b:s4+s3] =	stream.linear.scatter [tilespmem:s22], [sflag:$0x6], $0x2800, $0x38;
	[tilespmem:$0x1A400] =	vst v63  }
0x49: {  	_ =	swait.ge [sflag:s23], $0x2800  }
0x4a: {  	[sflag:s23] =	ssyncset.done $0x0  }
0x4b: {  	s4 =	sadd.s32 $0xFFFFFB00, s15;
	[sflag:s23] =	ssyncadd.s32 $0xFFFFD800  }
0x4c: {  	[hbm4b:s4+s3] =	stream.linear.scatter [tilespmem:s24], [sflag:$0x7], $0x2800, $0x38;
	[tilespmem:$0x1A400] =	vst v63  }
0x4d: {  	_ =	swait.ge [sflag:s25], $0x2800  }
0x4e: {  	[sflag:s25] =	ssyncset.done $0x0  }
0x4f: {  	[sflag:s25] =	ssyncadd.s32 $0xFFFFD800  }
0x50: {  	[hbm4b:s15+s3] =	stream.linear.scatter [tilespmem:s26], [sflag:$0x8], $0x2800, $0x38;
	[tilespmem:$0x1A400] =	vst v63  }
0x51: {  	_ =	swait.ge [sflag:s28], $0x2800  }
0x52: {  	s4 =	sshra.s32 s17, $0x2;
	[sflag:s28] =	ssyncset.done $0x0  }
0x53: {  	s17 =	sadd.s32 $0x140, s4;
	[sflag:s28] =	ssyncadd.s32 $0xFFFFD800  }
0x54: {  	[tilespmem:s13], [sflag:$0x1] =	stream.indirect.gather [hbm4b:s1+s12], $0x80, s17, s12, $0xb8;
	[tilespmem:$0x1A400] =	vst v63  }
0x55: {  	_ =	swait.ge [sflag:s29], $0x2800  }
0x56: {  	[sflag:s29] =	ssyncset.done $0x0  }
0x57: {  	s17 =	sadd.s32 $0x190, s4;
	[sflag:s29] =	ssyncadd.s32 $0xFFFFD800  }
0x58: {  	[tilespmem:s14], [sflag:$0x2] =	stream.indirect.gather [hbm4b:s1+s12], $0x80, s17, s12, $0xb8;
	[tilespmem:$0x1A400] =	vst v63  }
0x59: {  	_ =	swait.ge [sflag:s30], $0x2800  }
0x5a: {  	[sflag:s30] =	ssyncset.done $0x0  }
.Ltmp0:
0x5b: {  	s17 =	sadd.s32 $0x1E0, s4;
	[sflag:s30] =	ssyncadd.s32 $0xFFFFD800;
	(pc) =	sbr.rel @p0 .LBB2_2-.Ltmp0, $4  }
0x5c: {  	[tilespmem:s16], [sflag:$0x3] =	stream.indirect.gather [hbm4b:s1+s12], $0x80, s17, s12, $0xb8;
	[tilespmem:$0x1A400] =	vst v63  }
0x5d: {  	_ =	swait.ge [sflag:s31], $0x2800  }
0x5e: {  	[sflag:s31] =	ssyncset.done $0x0  }
0x5f: {  	s15 =	sadd.s32 $0x1400, s15;
	s17 =	sadd.s32 $0x230, s4;
	[sflag:s31] =	ssyncadd.s32 $0xFFFFD800  }
0x60: {  	[tilespmem:s18], [sflag:$0x4] =	stream.indirect.gather [hbm4b:s1+s12], $0x80, s17, s12, $0xb8;
	[tilespmem:$0x1A400] =	vst v63  }
0x61: {  	_ =	swait.ge [sflag:s19], $0x2800  }
0x62: {  	[sflag:s19] =	ssyncset.done $0x0  }
0x63: {  	[sflag:s19] =	ssyncadd.s32 $0xFFFFD800  }
0x64: {  	[hbm4b:s6+s3] =	stream.linear.scatter [tilespmem:s20], [sflag:$0x5], $0x2800, $0x38;
	[tilespmem:$0x1A400] =	vst v63  }
0x65: {  	_ =	swait.ge [sflag:s21], $0x2800  }
0x66: {  	[sflag:s21] =	ssyncset.done $0x0  }
0x67: {  	[sflag:s21] =	ssyncadd.s32 $0xFFFFD800  }
0x68: {  	[hbm4b:s7+s3] =	stream.linear.scatter [tilespmem:s22], [sflag:$0x6], $0x2800, $0x38;
	[tilespmem:$0x1A400] =	vst v63  }
0x69: {  	_ =	swait.ge [sflag:s23], $0x2800  }
0x6a: {  	[sflag:s23] =	ssyncset.done $0x0  }
0x6b: {  	[sflag:s23] =	ssyncadd.s32 $0xFFFFD800  }
0x6c: {  	[hbm4b:s8+s3] =	stream.linear.scatter [tilespmem:s24], [sflag:$0x7], $0x2800, $0x38;
	[tilespmem:$0x1A400] =	vst v63  }
0x6d: {  	_ =	swait.ge [sflag:s25], $0x2800  }
0x6e: {  	[sflag:s25] =	ssyncset.done $0x0  }
0x6f: {  	[sflag:s25] =	ssyncadd.s32 $0xFFFFD800  }
0x70: {  	[hbm4b:s9+s3] =	stream.linear.scatter [tilespmem:s26], [sflag:$0x8], $0x2800, $0x38;
	[tilespmem:$0x1A400] =	vst v63  }
0x71: {  	_ =	swait.ge [sflag:s28], $0x2800  }
0x72: {  	[sflag:s28] =	ssyncset.done $0x0  }
0x73: {  	[sflag:s28] =	ssyncadd.s32 $0xFFFFD800  }
0x74: {  	_ =	swait.ge [sflag:s29], $0x2800  }
0x75: {  	[sflag:s29] =	ssyncset.done $0x0  }
0x76: {  	s0 =	sadd.s32 $0x1, s0;
	[sflag:s29] =	ssyncadd.s32 $0xFFFFD800  }
0x77: {  	p0 =	sne.s32 s0, s5;
	_ =	swait.ge [sflag:s30], $0x2800  }
.Ltmp1:
0x78: {  	[sflag:s30] =	ssyncset.done $0x0;
	(pc) =	sbr.rel @p0 .LBB2_1-.Ltmp1, $4  }
0x79: {  	[sflag:s30] =	ssyncadd.s32 $0xFFFFD800  }
0x7a: {  	_ =	swait.ge [sflag:s31], $0x2800  }
0x7b: {  	[sflag:s31] =	ssyncset.done $0x0  }
0x7c: {  	[sflag:s31] =	ssyncadd.s32 $0xFFFFD800  }
0x7d: {  	_ =	sfence.sel $0x180000  }
0x7e: {  	[bflag:$0x0] =	sbarrier.arrive $0xFFFF  }
0x7f: {  	_ =	strace $0x90000047  }
0x80: {  	s0 =	stileid.u32;
	[bflag:$0x2] =	sbarrier.arrive $0xFFFF  }
0x81: {  	p0 =	sne.s32 s0, $0x0;
	s0 =	rddreg [dreg:$0x3]  }
0x82: {  	s0 =	sadd.s32 @!p0 $0x100000, s0  }
0x83: {  	[sflag:s0] =	ssyncadd.tile.s32 @!p0 $0x1;
	_ =	shalt  }
.Lfunc_end2:
_tile_overlayer_lowered:
.L_overlay_start_2:
0x84: {  	(tag) =	ssettag $0x2  }
0x85: {  	s0 =	rddreg [dreg:$0x0];
	s2 =	stileid.u32  }
0x86: {  	s1 =	rddreg [dreg:$0x1];
	p0 =	sne.s32 s2, $0x0  }
0x87: {  	s3 =	rddreg [dreg:$0x2];
	[bflag:$0x3] =	sbarrier.arrive $0xFFFF;
	s2 =	simm.s32 @!p0 $0x1C09  }
0x88: {  	[timem:s3], [sflag:s2] =	dma.local @!p0 [hbm:s0], s1  }
0x89: {  	s0 =	simm.s32 @!p0 $0x9  }
0x8a: {  	_ =	swait.ge @!p0 [sflag:s0], s1  }
0x8b: {  	s1 =	ssub.s32 @!p0 $0x0, s1;
	[sflag:s0] =	ssyncset.done @!p0 $0x0  }
0x8c: {  	[sflag:s0] =	ssyncadd.s32 @!p0 s1  }
0x8d: {  	[bflag:$0x3] =	sbarrier.arrive $0xFFFF  }
0x8e: {  	_ =	shalt  }

</sc_bundles>
